<compile_context>
chip_gen: v7x
topology: tpu7x:2x2x1
jax: 0.10.2.dev20260603
libtpu: 0.0.44.dev20260713+nightly
codegen_flags: <defaults>
</compile_context>

<pallas_src>
import functools

import jax
import jax.numpy as jnp
from jax import lax
from jax.experimental import pallas as pl
from jax.experimental.pallas import tpu as pltpu
from jax.experimental.pallas import tpu_sc as plsc

_N_WORKERS = 32
_E_ROWS = 320000
_ROWS_PER_W = _E_ROWS // _N_WORKERS
_ECHUNK = 2000
_NCHUNK = _ROWS_PER_W // _ECHUNK
_SLOTS = 3


@functools.partial(
    pl.kernel,
    out_type=jax.ShapeDtypeStruct((_E_ROWS, 16), jnp.float32),
    mesh=plsc.VectorSubcoreMesh(core_axis_name="c", subcore_axis_name="s"),
    compiler_params=pltpu.CompilerParams(use_tc_tiling_on_sc=False),
    scratch_types=[
        pltpu.VMEM((_SLOTS, _ECHUNK, 16), jnp.float32),
        pltpu.SemaphoreType.DMA((_SLOTS,)),
        pltpu.SemaphoreType.DMA((_SLOTS,)),
    ],
)
def _sc_copy_edge(e_hbm, out_hbm, buf, in_sems, out_sems):
    wid = lax.axis_index("s") * 2 + lax.axis_index("c")
    base = pl.multiple_of(wid * _ROWS_PER_W, 8)

    def _in_copy(j):
        b = jnp.int32(j % _SLOTS)
        row = pl.multiple_of(base + jnp.int32(j * _ECHUNK), 8)
        return pltpu.make_async_copy(
            e_hbm.at[pl.ds(row, _ECHUNK), :], buf.at[b], in_sems.at[b])

    def _out_copy(j):
        b = jnp.int32(j % _SLOTS)
        row = pl.multiple_of(base + jnp.int32(j * _ECHUNK), 8)
        return pltpu.make_async_copy(
            buf.at[b], out_hbm.at[pl.ds(row, _ECHUNK), :], out_sems.at[b])

    for j in range(_SLOTS):
        _in_copy(j).start()
    out_copies = {}
    for j in range(_NCHUNK):
        _in_copy(j).wait()
        co = _out_copy(j)
        co.start()
        out_copies[j] = co
        nxt = j + _SLOTS
        if nxt < _NCHUNK:
            out_copies.pop(j).wait()
            _in_copy(nxt).start()
    for j in list(out_copies):
        out_copies.pop(j).wait()


_XGRID = 10
_XB = 10000 // _XGRID


def _tc_copy_body(x_ref, xo_ref):
    xo_ref[...] = x_ref[...]


def _tc_copy_x(x):
    return pl.pallas_call(
        _tc_copy_body,
        grid=(_XGRID,),
        in_specs=[pl.BlockSpec((_XB, 128), lambda i: (i, jnp.int32(0)))],
        out_specs=pl.BlockSpec((_XB, 128), lambda i: (i, jnp.int32(0))),
        out_shape=jax.ShapeDtypeStruct((10000, 128), jnp.float32),
        compiler_params=pltpu.CompilerParams(
            dimension_semantics=("arbitrary",),
        ),
    )(x)


def kernel(x, edge_index, edge_attr):
    del edge_index
    e_out = _sc_copy_edge(edge_attr)
    x_out = _tc_copy_x(x)
    return (x_out, e_out)

# --- scband reference (transcript-rebuilt; emitter-appended) ---
"""Pipeline reference for scband-processor-1589137899997 (READ-ONLY COPY).

The authoritative reference and input builder live on the scoring server;
editing this copy changes nothing except your own understanding.
"""

import jax
jax.config.update("jax_enable_x64", True)
import jax.numpy as jnp
import numpy as np


def setup_inputs(seed: int = 0) -> dict:
    key = jax.random.key(seed)
    k1, k2, k3 = jax.random.split(key, 3)
    n_nodes = 10000
    n_edges = 320000
    d_feat = 128
    d_edge = 16
    x = jax.random.normal(k1, (n_nodes, d_feat), dtype=jnp.float32)
    edge_index = jax.random.randint(k2, (2, n_edges), 0, n_nodes, dtype=jnp.int64)
    edge_attr = jax.random.normal(k3, (n_edges, d_edge), dtype=jnp.float32)
    return {"x": x, "edge_index": edge_index, "edge_attr": edge_attr}


def reference(x, edge_index, edge_attr):
    # Faithful translation of Processor.forward with edge_model=None and
    # node_model=None (the constructor defaults). Row/col extraction is kept
    # for structural fidelity; with both submodels None the module returns
    # its inputs unchanged.
    row = edge_index[0]
    col = edge_index[1]
    # edge_model is None -> edge_attr unchanged
    # node_model is None -> x unchanged
    return (x, edge_attr)

if __name__ == "__main__":
    import jax
    _d = setup_inputs()
    print(jax.jit(kernel)(*tuple(_d.values())))

</pallas_src>

<mosaic_0001>
#map = affine_map<(d0, d1) -> (0, 0)>
module attributes {stable_mosaic.version = 14 : i64} {
  func.func @_sc_copy_edge(%arg0: i32, %arg1: i32, %arg2: memref<320000x16xf32, #tpu.memory_space<hbm>>, %arg3: memref<320000x16xf32, #tpu.memory_space<hbm>>, %arg4: memref<3x2000x16xf32, #tpu.memory_space<vmem>>, %arg5: memref<3x!tpu.dma_semaphore, #tpu.memory_space<semaphore_mem>>, %arg6: memref<3x!tpu.dma_semaphore, #tpu.memory_space<semaphore_mem>>) attributes {dimension_semantics = [#tpu.dimension_semantics<core_parallel>, #tpu.dimension_semantics<subcore_parallel>], iteration_bounds = array<i64: 2, 16>, scalar_prefetch = 0 : i64, scratch_operands = 3 : i64, tpu.core_type = #tpu.core_type<sc_vector_subcore>, window_params = [{transform_indices = #map}, {transform_indices = #map}]} {
    %mul3A = arith.constant 2 : i32
    %mul3A_0 = arith.muli %arg1, %mul3A : i32
    %add3A = arith.addi %mul3A_0, %arg0 : i32
    %mul3A_1 = arith.constant 10000 : i32
    %mul3A_2 = arith.muli %add3A, %mul3A_1 : i32
    %multiple_of3A = tpu.assume_multiple %mul3A_2, 8 : i32
    %add3A_3 = arith.constant 0 : i32
    %add3A_4 = arith.addi %multiple_of3A, %add3A_3 : i32
    %multiple_of3A_5 = tpu.assume_multiple %add3A_4, 8 : i32
    %dma_start3A = arith.constant 0 : i32
    %dma_start3A_6 = arith.constant 0 : i32
    %dma_start3A_7 = arith.constant 0 : i32
    %dma_start3A_8 = arith.constant 0 : i32
    %dma_start3A_9 = tpu.memref_slice %arg4[%dma_start3A, %dma_start3A_7, %dma_start3A_8] : memref<3x2000x16xf32, #tpu.memory_space<vmem>> -> memref<1x2000x16xf32, #tpu.memory_space<vmem>>
    %dma_start3A_10 = tpu.memref_squeeze %dma_start3A_9 : memref<1x2000x16xf32, #tpu.memory_space<vmem>> -> memref<2000x16xf32, #tpu.memory_space<vmem>>
    %dma_start3A_11 = arith.constant 0 : i32
    %dma_start3A_12 = tpu.memref_slice %arg2[%multiple_of3A_5, %dma_start3A_11] : memref<320000x16xf32, #tpu.memory_space<hbm>> -> memref<2000x16xf32, #tpu.memory_space<hbm>>
    %dma_start3A_13 = tpu.memref_slice %arg5[%dma_start3A_6] : memref<3x!tpu.dma_semaphore, #tpu.memory_space<semaphore_mem>> -> memref<1x!tpu.dma_semaphore, #tpu.memory_space<semaphore_mem>>
    %dma_start3A_14 = tpu.memref_squeeze %dma_start3A_13 : memref<1x!tpu.dma_semaphore, #tpu.memory_space<semaphore_mem>> -> memref<!tpu.dma_semaphore, #tpu.memory_space<semaphore_mem>>
    %dma_start3A_15 = arith.constant 0 : i32
    %dma_start3A_16 = arith.constant 0 : i32
    %dma_start3A_17 = tpu.memref_slice %arg4[%dma_start3A, %dma_start3A_15, %dma_start3A_16] : memref<3x2000x16xf32, #tpu.memory_space<vmem>> -> memref<1x2000x16xf32, #tpu.memory_space<vmem>>
    %dma_start3A_18 = tpu.memref_squeeze %dma_start3A_17 : memref<1x2000x16xf32, #tpu.memory_space<vmem>> -> memref<2000x16xf32, #tpu.memory_space<vmem>>
    %dma_start3A_19 = arith.constant 0 : i32
    %dma_start3A_20 = tpu.memref_slice %arg2[%multiple_of3A_5, %dma_start3A_19] : memref<320000x16xf32, #tpu.memory_space<hbm>> -> memref<2000x16xf32, #tpu.memory_space<hbm>>
    tpu.enqueue_dma source(%dma_start3A_20 : memref<2000x16xf32, #tpu.memory_space<hbm>>) target(%dma_start3A_18 : memref<2000x16xf32, #tpu.memory_space<vmem>>) target_semaphore(%dma_start3A_14 : memref<!tpu.dma_semaphore, #tpu.memory_space<semaphore_mem>>)
    %add3A_21 = arith.constant 2000 : i32
    %add3A_22 = arith.addi %multiple_of3A, %add3A_21 : i32
    %multiple_of3A_23 = tpu.assume_multiple %add3A_22, 8 : i32
    %dma_start3A_24 = arith.constant 1 : i32
    %dma_start3A_25 = arith.constant 1 : i32
    %dma_start3A_26 = arith.constant 0 : i32
    %dma_start3A_27 = arith.constant 0 : i32
    %dma_start3A_28 = tpu.memref_slice %arg4[%dma_start3A_24, %dma_start3A_26, %dma_start3A_27] : memref<3x2000x16xf32, #tpu.memory_space<vmem>> -> memref<1x2000x16xf32, #tpu.memory_space<vmem>>
    %dma_start3A_29 = tpu.memref_squeeze %dma_start3A_28 : memref<1x2000x16xf32, #tpu.memory_space<vmem>> -> memref<2000x16xf32, #tpu.memory_space<vmem>>
    %dma_start3A_30 = arith.constant 0 : i32
    %dma_start3A_31 = tpu.memref_slice %arg2[%multiple_of3A_23, %dma_start3A_30] : memref<320000x16xf32, #tpu.memory_space<hbm>> -> memref<2000x16xf32, #tpu.memory_space<hbm>>
    %dma_start3A_32 = tpu.memref_slice %arg5[%dma_start3A_25] : memref<3x!tpu.dma_semaphore, #tpu.memory_space<semaphore_mem>> -> memref<1x!tpu.dma_semaphore, #tpu.memory_space<semaphore_mem>>
    %dma_start3A_33 = tpu.memref_squeeze %dma_start3A_32 : memref<1x!tpu.dma_semaphore, #tpu.memory_space<semaphore_mem>> -> memref<!tpu.dma_semaphore, #tpu.memory_space<semaphore_mem>>
    %dma_start3A_34 = arith.constant 0 : i32
    %dma_start3A_35 = arith.constant 0 : i32
    %dma_start3A_36 = tpu.memref_slice %arg4[%dma_start3A_24, %dma_start3A_34, %dma_start3A_35] : memref<3x2000x16xf32, #tpu.memory_space<vmem>> -> memref<1x2000x16xf32, #tpu.memory_space<vmem>>
    %dma_start3A_37 = tpu.memref_squeeze %dma_start3A_36 : memref<1x2000x16xf32, #tpu.memory_space<vmem>> -> memref<2000x16xf32, #tpu.memory_space<vmem>>
    %dma_start3A_38 = arith.constant 0 : i32
    %dma_start3A_39 = tpu.memref_slice %arg2[%multiple_of3A_23, %dma_start3A_38] : memref<320000x16xf32, #tpu.memory_space<hbm>> -> memref<2000x16xf32, #tpu.memory_space<hbm>>
    tpu.enqueue_dma source(%dma_start3A_39 : memref<2000x16xf32, #tpu.memory_space<hbm>>) target(%dma_start3A_37 : memref<2000x16xf32, #tpu.memory_space<vmem>>) target_semaphore(%dma_start3A_33 : memref<!tpu.dma_semaphore, #tpu.memory_space<semaphore_mem>>)
    %add3A_40 = arith.constant 4000 : i32
    %add3A_41 = arith.addi %multiple_of3A, %add3A_40 : i32
    %multiple_of3A_42 = tpu.assume_multiple %add3A_41, 8 : i32
    %dma_start3A_43 = arith.constant 2 : i32
    %dma_start3A_44 = arith.constant 2 : i32
    %dma_start3A_45 = arith.constant 0 : i32
    %dma_start3A_46 = arith.constant 0 : i32
    %dma_start3A_47 = tpu.memref_slice %arg4[%dma_start3A_43, %dma_start3A_45, %dma_start3A_46] : memref<3x2000x16xf32, #tpu.memory_space<vmem>> -> memref<1x2000x16xf32, #tpu.memory_space<vmem>>
    %dma_start3A_48 = tpu.memref_squeeze %dma_start3A_47 : memref<1x2000x16xf32, #tpu.memory_space<vmem>> -> memref<2000x16xf32, #tpu.memory_space<vmem>>
    %dma_start3A_49 = arith.constant 0 : i32
    %dma_start3A_50 = tpu.memref_slice %arg2[%multiple_of3A_42, %dma_start3A_49] : memref<320000x16xf32, #tpu.memory_space<hbm>> -> memref<2000x16xf32, #tpu.memory_space<hbm>>
    %dma_start3A_51 = tpu.memref_slice %arg5[%dma_start3A_44] : memref<3x!tpu.dma_semaphore, #tpu.memory_space<semaphore_mem>> -> memref<1x!tpu.dma_semaphore, #tpu.memory_space<semaphore_mem>>
    %dma_start3A_52 = tpu.memref_squeeze %dma_start3A_51 : memref<1x!tpu.dma_semaphore, #tpu.memory_space<semaphore_mem>> -> memref<!tpu.dma_semaphore, #tpu.memory_space<semaphore_mem>>
    %dma_start3A_53 = arith.constant 0 : i32
    %dma_start3A_54 = arith.constant 0 : i32
    %dma_start3A_55 = tpu.memref_slice %arg4[%dma_start3A_43, %dma_start3A_53, %dma_start3A_54] : memref<3x2000x16xf32, #tpu.memory_space<vmem>> -> memref<1x2000x16xf32, #tpu.memory_space<vmem>>
    %dma_start3A_56 = tpu.memref_squeeze %dma_start3A_55 : memref<1x2000x16xf32, #tpu.memory_space<vmem>> -> memref<2000x16xf32, #tpu.memory_space<vmem>>
    %dma_start3A_57 = arith.constant 0 : i32
    %dma_start3A_58 = tpu.memref_slice %arg2[%multiple_of3A_42, %dma_start3A_57] : memref<320000x16xf32, #tpu.memory_space<hbm>> -> memref<2000x16xf32, #tpu.memory_space<hbm>>
    tpu.enqueue_dma source(%dma_start3A_58 : memref<2000x16xf32, #tpu.memory_space<hbm>>) target(%dma_start3A_56 : memref<2000x16xf32, #tpu.memory_space<vmem>>) target_semaphore(%dma_start3A_52 : memref<!tpu.dma_semaphore, #tpu.memory_space<semaphore_mem>>)
    %add3A_59 = arith.constant 0 : i32
    %add3A_60 = arith.addi %multiple_of3A, %add3A_59 : i32
    %multiple_of3A_61 = tpu.assume_multiple %add3A_60, 8 : i32
    %dma_wait3A = arith.constant 0 : i32
    %dma_wait3A_62 = arith.constant 0 : i32
    %dma_wait3A_63 = arith.constant 0 : i32
    %dma_wait3A_64 = arith.constant 0 : i32
    %dma_wait3A_65 = tpu.memref_slice %arg4[%dma_wait3A, %dma_wait3A_63, %dma_wait3A_64] : memref<3x2000x16xf32, #tpu.memory_space<vmem>> -> memref<1x2000x16xf32, #tpu.memory_space<vmem>>
    %dma_wait3A_66 = tpu.memref_squeeze %dma_wait3A_65 : memref<1x2000x16xf32, #tpu.memory_space<vmem>> -> memref<2000x16xf32, #tpu.memory_space<vmem>>
    %dma_wait3A_67 = arith.constant 0 : i32
    %dma_wait3A_68 = tpu.memref_slice %arg2[%multiple_of3A_61, %dma_wait3A_67] : memref<320000x16xf32, #tpu.memory_space<hbm>> -> memref<2000x16xf32, #tpu.memory_space<hbm>>
    %dma_wait3A_69 = tpu.memref_slice %arg5[%dma_wait3A_62] : memref<3x!tpu.dma_semaphore, #tpu.memory_space<semaphore_mem>> -> memref<1x!tpu.dma_semaphore, #tpu.memory_space<semaphore_mem>>
    %dma_wait3A_70 = tpu.memref_squeeze %dma_wait3A_69 : memref<1x!tpu.dma_semaphore, #tpu.memory_space<semaphore_mem>> -> memref<!tpu.dma_semaphore, #tpu.memory_space<semaphore_mem>>
    %dma_wait3A_71 = arith.constant 0 : i32
    %dma_wait3A_72 = arith.constant 0 : i32
    %dma_wait3A_73 = tpu.memref_slice %arg4[%dma_wait3A, %dma_wait3A_71, %dma_wait3A_72] : memref<3x2000x16xf32, #tpu.memory_space<vmem>> -> memref<1x2000x16xf32, #tpu.memory_space<vmem>>
    %dma_wait3A_74 = tpu.memref_squeeze %dma_wait3A_73 : memref<1x2000x16xf32, #tpu.memory_space<vmem>> -> memref<2000x16xf32, #tpu.memory_space<vmem>>
    %dma_wait3A_75 = arith.constant 0 : i32
    %dma_wait3A_76 = tpu.memref_slice %arg2[%multiple_of3A_61, %dma_wait3A_75] : memref<320000x16xf32, #tpu.memory_space<hbm>> -> memref<2000x16xf32, #tpu.memory_space<hbm>>
    tpu.wait_dma2 semaphore(%dma_wait3A_70 : memref<!tpu.dma_semaphore, #tpu.memory_space<semaphore_mem>>) src(%dma_wait3A_76 : memref<2000x16xf32, #tpu.memory_space<hbm>>) dst(%dma_wait3A_74 : memref<2000x16xf32, #tpu.memory_space<vmem>>)
    %add3A_77 = arith.constant 0 : i32
    %add3A_78 = arith.addi %multiple_of3A, %add3A_77 : i32
    %multiple_of3A_79 = tpu.assume_multiple %add3A_78, 8 : i32
    %dma_start3A_80 = arith.constant 0 : i32
    %dma_start3A_81 = arith.constant 0 : i32
    %dma_start3A_82 = arith.constant 0 : i32
    %dma_start3A_83 = arith.constant 0 : i32
    %dma_start3A_84 = tpu.memref_slice %arg4[%dma_start3A_80, %dma_start3A_82, %dma_start3A_83] : memref<3x2000x16xf32, #tpu.memory_space<vmem>> -> memref<1x2000x16xf32, #tpu.memory_space<vmem>>
    %dma_start3A_85 = tpu.memref_squeeze %dma_start3A_84 : memref<1x2000x16xf32, #tpu.memory_space<vmem>> -> memref<2000x16xf32, #tpu.memory_space<vmem>>
    %dma_start3A_86 = arith.constant 0 : i32
    %dma_start3A_87 = tpu.memref_slice %arg3[%multiple_of3A_79, %dma_start3A_86] : memref<320000x16xf32, #tpu.memory_space<hbm>> -> memref<2000x16xf32, #tpu.memory_space<hbm>>
    %dma_start3A_88 = tpu.memref_slice %arg6[%dma_start3A_81] : memref<3x!tpu.dma_semaphore, #tpu.memory_space<semaphore_mem>> -> memref<1x!tpu.dma_semaphore, #tpu.memory_space<semaphore_mem>>
    %dma_start3A_89 = tpu.memref_squeeze %dma_start3A_88 : memref<1x!tpu.dma_semaphore, #tpu.memory_space<semaphore_mem>> -> memref<!tpu.dma_semaphore, #tpu.memory_space<semaphore_mem>>
    %dma_start3A_90 = arith.constant 0 : i32
    %dma_start3A_91 = tpu.memref_slice %arg3[%multiple_of3A_79, %dma_start3A_90] : memref<320000x16xf32, #tpu.memory_space<hbm>> -> memref<2000x16xf32, #tpu.memory_space<hbm>>
    %dma_start3A_92 = arith.constant 0 : i32
    %dma_start3A_93 = arith.constant 0 : i32
    %dma_start3A_94 = tpu.memref_slice %arg4[%dma_start3A_80, %dma_start3A_92, %dma_start3A_93] : memref<3x2000x16xf32, #tpu.memory_space<vmem>> -> memref<1x2000x16xf32, #tpu.memory_space<vmem>>
    %dma_start3A_95 = tpu.memref_squeeze %dma_start3A_94 : memref<1x2000x16xf32, #tpu.memory_space<vmem>> -> memref<2000x16xf32, #tpu.memory_space<vmem>>
    tpu.enqueue_dma source(%dma_start3A_95 : memref<2000x16xf32, #tpu.memory_space<vmem>>) target(%dma_start3A_91 : memref<2000x16xf32, #tpu.memory_space<hbm>>) target_semaphore(%dma_start3A_89 : memref<!tpu.dma_semaphore, #tpu.memory_space<semaphore_mem>>)
    %dma_wait3A_96 = arith.constant 0 : i32
    %dma_wait3A_97 = arith.constant 0 : i32
    %dma_wait3A_98 = arith.constant 0 : i32
    %dma_wait3A_99 = arith.constant 0 : i32
    %dma_wait3A_100 = tpu.memref_slice %arg4[%dma_wait3A_96, %dma_wait3A_98, %dma_wait3A_99] : memref<3x2000x16xf32, #tpu.memory_space<vmem>> -> memref<1x2000x16xf32, #tpu.memory_space<vmem>>
    %dma_wait3A_101 = tpu.memref_squeeze %dma_wait3A_100 : memref<1x2000x16xf32, #tpu.memory_space<vmem>> -> memref<2000x16xf32, #tpu.memory_space<vmem>>
    %dma_wait3A_102 = arith.constant 0 : i32
    %dma_wait3A_103 = tpu.memref_slice %arg3[%multiple_of3A_79, %dma_wait3A_102] : memref<320000x16xf32, #tpu.memory_space<hbm>> -> memref<2000x16xf32, #tpu.memory_space<hbm>>
    %dma_wait3A_104 = tpu.memref_slice %arg6[%dma_wait3A_97] : memref<3x!tpu.dma_semaphore, #tpu.memory_space<semaphore_mem>> -> memref<1x!tpu.dma_semaphore, #tpu.memory_space<semaphore_mem>>
    %dma_wait3A_105 = tpu.memref_squeeze %dma_wait3A_104 : memref<1x!tpu.dma_semaphore, #tpu.memory_space<semaphore_mem>> -> memref<!tpu.dma_semaphore, #tpu.memory_space<semaphore_mem>>
    %dma_wait3A_106 = arith.constant 0 : i32
    %dma_wait3A_107 = tpu.memref_slice %arg3[%multiple_of3A_79, %dma_wait3A_106] : memref<320000x16xf32, #tpu.memory_space<hbm>> -> memref<2000x16xf32, #tpu.memory_space<hbm>>
    %dma_wait3A_108 = arith.constant 0 : i32
    %dma_wait3A_109 = arith.constant 0 : i32
    %dma_wait3A_110 = tpu.memref_slice %arg4[%dma_wait3A_96, %dma_wait3A_108, %dma_wait3A_109] : memref<3x2000x16xf32, #tpu.memory_space<vmem>> -> memref<1x2000x16xf32, #tpu.memory_space<vmem>>
    %dma_wait3A_111 = tpu.memref_squeeze %dma_wait3A_110 : memref<1x2000x16xf32, #tpu.memory_space<vmem>> -> memref<2000x16xf32, #tpu.memory_space<vmem>>
    tpu.wait_dma2 semaphore(%dma_wait3A_105 : memref<!tpu.dma_semaphore, #tpu.memory_space<semaphore_mem>>) src(%dma_wait3A_111 : memref<2000x16xf32, #tpu.memory_space<vmem>>) dst(%dma_wait3A_107 : memref<2000x16xf32, #tpu.memory_space<hbm>>)
    %add3A_112 = arith.constant 6000 : i32
    %add3A_113 = arith.addi %multiple_of3A, %add3A_112 : i32
    %multiple_of3A_114 = tpu.assume_multiple %add3A_113, 8 : i32
    %dma_start3A_115 = arith.constant 0 : i32
    %dma_start3A_116 = arith.constant 0 : i32
    %dma_start3A_117 = arith.constant 0 : i32
    %dma_start3A_118 = arith.constant 0 : i32
    %dma_start3A_119 = tpu.memref_slice %arg4[%dma_start3A_115, %dma_start3A_117, %dma_start3A_118] : memref<3x2000x16xf32, #tpu.memory_space<vmem>> -> memref<1x2000x16xf32, #tpu.memory_space<vmem>>
    %dma_start3A_120 = tpu.memref_squeeze %dma_start3A_119 : memref<1x2000x16xf32, #tpu.memory_space<vmem>> -> memref<2000x16xf32, #tpu.memory_space<vmem>>
    %dma_start3A_121 = arith.constant 0 : i32
    %dma_start3A_122 = tpu.memref_slice %arg2[%multiple_of3A_114, %dma_start3A_121] : memref<320000x16xf32, #tpu.memory_space<hbm>> -> memref<2000x16xf32, #tpu.memory_space<hbm>>
    %dma_start3A_123 = tpu.memref_slice %arg5[%dma_start3A_116] : memref<3x!tpu.dma_semaphore, #tpu.memory_space<semaphore_mem>> -> memref<1x!tpu.dma_semaphore, #tpu.memory_space<semaphore_mem>>
    %dma_start3A_124 = tpu.memref_squeeze %dma_start3A_123 : memref<1x!tpu.dma_semaphore, #tpu.memory_space<semaphore_mem>> -> memref<!tpu.dma_semaphore, #tpu.memory_space<semaphore_mem>>
    %dma_start3A_125 = arith.constant 0 : i32
    %dma_start3A_126 = arith.constant 0 : i32
    %dma_start3A_127 = tpu.memref_slice %arg4[%dma_start3A_115, %dma_start3A_125, %dma_start3A_126] : memref<3x2000x16xf32, #tpu.memory_space<vmem>> -> memref<1x2000x16xf32, #tpu.memory_space<vmem>>
    %dma_start3A_128 = tpu.memref_squeeze %dma_start3A_127 : memref<1x2000x16xf32, #tpu.memory_space<vmem>> -> memref<2000x16xf32, #tpu.memory_space<vmem>>
    %dma_start3A_129 = arith.constant 0 : i32
    %dma_start3A_130 = tpu.memref_slice %arg2[%multiple_of3A_114, %dma_start3A_129] : memref<320000x16xf32, #tpu.memory_space<hbm>> -> memref<2000x16xf32, #tpu.memory_space<hbm>>
    tpu.enqueue_dma source(%dma_start3A_130 : memref<2000x16xf32, #tpu.memory_space<hbm>>) target(%dma_start3A_128 : memref<2000x16xf32, #tpu.memory_space<vmem>>) target_semaphore(%dma_start3A_124 : memref<!tpu.dma_semaphore, #tpu.memory_space<semaphore_mem>>)
    %add3A_131 = arith.constant 2000 : i32
    %add3A_132 = arith.addi %multiple_of3A, %add3A_131 : i32
    %multiple_of3A_133 = tpu.assume_multiple %add3A_132, 8 : i32
    %dma_wait3A_134 = arith.constant 1 : i32
    %dma_wait3A_135 = arith.constant 1 : i32
    %dma_wait3A_136 = arith.constant 0 : i32
    %dma_wait3A_137 = arith.constant 0 : i32
    %dma_wait3A_138 = tpu.memref_slice %arg4[%dma_wait3A_134, %dma_wait3A_136, %dma_wait3A_137] : memref<3x2000x16xf32, #tpu.memory_space<vmem>> -> memref<1x2000x16xf32, #tpu.memory_space<vmem>>
    %dma_wait3A_139 = tpu.memref_squeeze %dma_wait3A_138 : memref<1x2000x16xf32, #tpu.memory_space<vmem>> -> memref<2000x16xf32, #tpu.memory_space<vmem>>
    %dma_wait3A_140 = arith.constant 0 : i32
    %dma_wait3A_141 = tpu.memref_slice %arg2[%multiple_of3A_133, %dma_wait3A_140] : memref<320000x16xf32, #tpu.memory_space<hbm>> -> memref<2000x16xf32, #tpu.memory_space<hbm>>
    %dma_wait3A_142 = tpu.memref_slice %arg5[%dma_wait3A_135] : memref<3x!tpu.dma_semaphore, #tpu.memory_space<semaphore_mem>> -> memref<1x!tpu.dma_semaphore, #tpu.memory_space<semaphore_mem>>
    %dma_wait3A_143 = tpu.memref_squeeze %dma_wait3A_142 : memref<1x!tpu.dma_semaphore, #tpu.memory_space<semaphore_mem>> -> memref<!tpu.dma_semaphore, #tpu.memory_space<semaphore_mem>>
    %dma_wait3A_144 = arith.constant 0 : i32
    %dma_wait3A_145 = arith.constant 0 : i32
    %dma_wait3A_146 = tpu.memref_slice %arg4[%dma_wait3A_134, %dma_wait3A_144, %dma_wait3A_145] : memref<3x2000x16xf32, #tpu.memory_space<vmem>> -> memref<1x2000x16xf32, #tpu.memory_space<vmem>>
    %dma_wait3A_147 = tpu.memref_squeeze %dma_wait3A_146 : memref<1x2000x16xf32, #tpu.memory_space<vmem>> -> memref<2000x16xf32, #tpu.memory_space<vmem>>
    %dma_wait3A_148 = arith.constant 0 : i32
    %dma_wait3A_149 = tpu.memref_slice %arg2[%multiple_of3A_133, %dma_wait3A_148] : memref<320000x16xf32, #tpu.memory_space<hbm>> -> memref<2000x16xf32, #tpu.memory_space<hbm>>
    tpu.wait_dma2 semaphore(%dma_wait3A_143 : memref<!tpu.dma_semaphore, #tpu.memory_space<semaphore_mem>>) src(%dma_wait3A_149 : memref<2000x16xf32, #tpu.memory_space<hbm>>) dst(%dma_wait3A_147 : memref<2000x16xf32, #tpu.memory_space<vmem>>)
    %add3A_150 = arith.constant 2000 : i32
    %add3A_151 = arith.addi %multiple_of3A, %add3A_150 : i32
    %multiple_of3A_152 = tpu.assume_multiple %add3A_151, 8 : i32
    %dma_start3A_153 = arith.constant 1 : i32
    %dma_start3A_154 = arith.constant 1 : i32
    %dma_start3A_155 = arith.constant 0 : i32
    %dma_start3A_156 = arith.constant 0 : i32
    %dma_start3A_157 = tpu.memref_slice %arg4[%dma_start3A_153, %dma_start3A_155, %dma_start3A_156] : memref<3x2000x16xf32, #tpu.memory_space<vmem>> -> memref<1x2000x16xf32, #tpu.memory_space<vmem>>
    %dma_start3A_158 = tpu.memref_squeeze %dma_start3A_157 : memref<1x2000x16xf32, #tpu.memory_space<vmem>> -> memref<2000x16xf32, #tpu.memory_space<vmem>>
    %dma_start3A_159 = arith.constant 0 : i32
    %dma_start3A_160 = tpu.memref_slice %arg3[%multiple_of3A_152, %dma_start3A_159] : memref<320000x16xf32, #tpu.memory_space<hbm>> -> memref<2000x16xf32, #tpu.memory_space<hbm>>
    %dma_start3A_161 = tpu.memref_slice %arg6[%dma_start3A_154] : memref<3x!tpu.dma_semaphore, #tpu.memory_space<semaphore_mem>> -> memref<1x!tpu.dma_semaphore, #tpu.memory_space<semaphore_mem>>
    %dma_start3A_162 = tpu.memref_squeeze %dma_start3A_161 : memref<1x!tpu.dma_semaphore, #tpu.memory_space<semaphore_mem>> -> memref<!tpu.dma_semaphore, #tpu.memory_space<semaphore_mem>>
    %dma_start3A_163 = arith.constant 0 : i32
    %dma_start3A_164 = tpu.memref_slice %arg3[%multiple_of3A_152, %dma_start3A_163] : memref<320000x16xf32, #tpu.memory_space<hbm>> -> memref<2000x16xf32, #tpu.memory_space<hbm>>
    %dma_start3A_165 = arith.constant 0 : i32
    %dma_start3A_166 = arith.constant 0 : i32
    %dma_start3A_167 = tpu.memref_slice %arg4[%dma_start3A_153, %dma_start3A_165, %dma_start3A_166] : memref<3x2000x16xf32, #tpu.memory_space<vmem>> -> memref<1x2000x16xf32, #tpu.memory_space<vmem>>
    %dma_start3A_168 = tpu.memref_squeeze %dma_start3A_167 : memref<1x2000x16xf32, #tpu.memory_space<vmem>> -> memref<2000x16xf32, #tpu.memory_space<vmem>>
    tpu.enqueue_dma source(%dma_start3A_168 : memref<2000x16xf32, #tpu.memory_space<vmem>>) target(%dma_start3A_164 : memref<2000x16xf32, #tpu.memory_space<hbm>>) target_semaphore(%dma_start3A_162 : memref<!tpu.dma_semaphore, #tpu.memory_space<semaphore_mem>>)
    %dma_wait3A_169 = arith.constant 1 : i32
    %dma_wait3A_170 = arith.constant 1 : i32
    %dma_wait3A_171 = arith.constant 0 : i32
    %dma_wait3A_172 = arith.constant 0 : i32
    %dma_wait3A_173 = tpu.memref_slice %arg4[%dma_wait3A_169, %dma_wait3A_171, %dma_wait3A_172] : memref<3x2000x16xf32, #tpu.memory_space<vmem>> -> memref<1x2000x16xf32, #tpu.memory_space<vmem>>
    %dma_wait3A_174 = tpu.memref_squeeze %dma_wait3A_173 : memref<1x2000x16xf32, #tpu.memory_space<vmem>> -> memref<2000x16xf32, #tpu.memory_space<vmem>>
    %dma_wait3A_175 = arith.constant 0 : i32
    %dma_wait3A_176 = tpu.memref_slice %arg3[%multiple_of3A_152, %dma_wait3A_175] : memref<320000x16xf32, #tpu.memory_space<hbm>> -> memref<2000x16xf32, #tpu.memory_space<hbm>>
    %dma_wait3A_177 = tpu.memref_slice %arg6[%dma_wait3A_170] : memref<3x!tpu.dma_semaphore, #tpu.memory_space<semaphore_mem>> -> memref<1x!tpu.dma_semaphore, #tpu.memory_space<semaphore_mem>>
    %dma_wait3A_178 = tpu.memref_squeeze %dma_wait3A_177 : memref<1x!tpu.dma_semaphore, #tpu.memory_space<semaphore_mem>> -> memref<!tpu.dma_semaphore, #tpu.memory_space<semaphore_mem>>
    %dma_wait3A_179 = arith.constant 0 : i32
    %dma_wait3A_180 = tpu.memref_slice %arg3[%multiple_of3A_152, %dma_wait3A_179] : memref<320000x16xf32, #tpu.memory_space<hbm>> -> memref<2000x16xf32, #tpu.memory_space<hbm>>
    %dma_wait3A_181 = arith.constant 0 : i32
    %dma_wait3A_182 = arith.constant 0 : i32
    %dma_wait3A_183 = tpu.memref_slice %arg4[%dma_wait3A_169, %dma_wait3A_181, %dma_wait3A_182] : memref<3x2000x16xf32, #tpu.memory_space<vmem>> -> memref<1x2000x16xf32, #tpu.memory_space<vmem>>
    %dma_wait3A_184 = tpu.memref_squeeze %dma_wait3A_183 : memref<1x2000x16xf32, #tpu.memory_space<vmem>> -> memref<2000x16xf32, #tpu.memory_space<vmem>>
    tpu.wait_dma2 semaphore(%dma_wait3A_178 : memref<!tpu.dma_semaphore, #tpu.memory_space<semaphore_mem>>) src(%dma_wait3A_184 : memref<2000x16xf32, #tpu.memory_space<vmem>>) dst(%dma_wait3A_180 : memref<2000x16xf32, #tpu.memory_space<hbm>>)
    %add3A_185 = arith.constant 8000 : i32
    %add3A_186 = arith.addi %multiple_of3A, %add3A_185 : i32
    %multiple_of3A_187 = tpu.assume_multiple %add3A_186, 8 : i32
    %dma_start3A_188 = arith.constant 1 : i32
    %dma_start3A_189 = arith.constant 1 : i32
    %dma_start3A_190 = arith.constant 0 : i32
    %dma_start3A_191 = arith.constant 0 : i32
    %dma_start3A_192 = tpu.memref_slice %arg4[%dma_start3A_188, %dma_start3A_190, %dma_start3A_191] : memref<3x2000x16xf32, #tpu.memory_space<vmem>> -> memref<1x2000x16xf32, #tpu.memory_space<vmem>>
    %dma_start3A_193 = tpu.memref_squeeze %dma_start3A_192 : memref<1x2000x16xf32, #tpu.memory_space<vmem>> -> memref<2000x16xf32, #tpu.memory_space<vmem>>
    %dma_start3A_194 = arith.constant 0 : i32
    %dma_start3A_195 = tpu.memref_slice %arg2[%multiple_of3A_187, %dma_start3A_194] : memref<320000x16xf32, #tpu.memory_space<hbm>> -> memref<2000x16xf32, #tpu.memory_space<hbm>>
    %dma_start3A_196 = tpu.memref_slice %arg5[%dma_start3A_189] : memref<3x!tpu.dma_semaphore, #tpu.memory_space<semaphore_mem>> -> memref<1x!tpu.dma_semaphore, #tpu.memory_space<semaphore_mem>>
    %dma_start3A_197 = tpu.memref_squeeze %dma_start3A_196 : memref<1x!tpu.dma_semaphore, #tpu.memory_space<semaphore_mem>> -> memref<!tpu.dma_semaphore, #tpu.memory_space<semaphore_mem>>
    %dma_start3A_198 = arith.constant 0 : i32
    %dma_start3A_199 = arith.constant 0 : i32
    %dma_start3A_200 = tpu.memref_slice %arg4[%dma_start3A_188, %dma_start3A_198, %dma_start3A_199] : memref<3x2000x16xf32, #tpu.memory_space<vmem>> -> memref<1x2000x16xf32, #tpu.memory_space<vmem>>
    %dma_start3A_201 = tpu.memref_squeeze %dma_start3A_200 : memref<1x2000x16xf32, #tpu.memory_space<vmem>> -> memref<2000x16xf32, #tpu.memory_space<vmem>>
    %dma_start3A_202 = arith.constant 0 : i32
    %dma_start3A_203 = tpu.memref_slice %arg2[%multiple_of3A_187, %dma_start3A_202] : memref<320000x16xf32, #tpu.memory_space<hbm>> -> memref<2000x16xf32, #tpu.memory_space<hbm>>
    tpu.enqueue_dma source(%dma_start3A_203 : memref<2000x16xf32, #tpu.memory_space<hbm>>) target(%dma_start3A_201 : memref<2000x16xf32, #tpu.memory_space<vmem>>) target_semaphore(%dma_start3A_197 : memref<!tpu.dma_semaphore, #tpu.memory_space<semaphore_mem>>)
    %add3A_204 = arith.constant 4000 : i32
    %add3A_205 = arith.addi %multiple_of3A, %add3A_204 : i32
    %multiple_of3A_206 = tpu.assume_multiple %add3A_205, 8 : i32
    %dma_wait3A_207 = arith.constant 2 : i32
    %dma_wait3A_208 = arith.constant 2 : i32
    %dma_wait3A_209 = arith.constant 0 : i32
    %dma_wait3A_210 = arith.constant 0 : i32
    %dma_wait3A_211 = tpu.memref_slice %arg4[%dma_wait3A_207, %dma_wait3A_209, %dma_wait3A_210] : memref<3x2000x16xf32, #tpu.memory_space<vmem>> -> memref<1x2000x16xf32, #tpu.memory_space<vmem>>
    %dma_wait3A_212 = tpu.memref_squeeze %dma_wait3A_211 : memref<1x2000x16xf32, #tpu.memory_space<vmem>> -> memref<2000x16xf32, #tpu.memory_space<vmem>>
    %dma_wait3A_213 = arith.constant 0 : i32
    %dma_wait3A_214 = tpu.memref_slice %arg2[%multiple_of3A_206, %dma_wait3A_213] : memref<320000x16xf32, #tpu.memory_space<hbm>> -> memref<2000x16xf32, #tpu.memory_space<hbm>>
    %dma_wait3A_215 = tpu.memref_slice %arg5[%dma_wait3A_208] : memref<3x!tpu.dma_semaphore, #tpu.memory_space<semaphore_mem>> -> memref<1x!tpu.dma_semaphore, #tpu.memory_space<semaphore_mem>>
    %dma_wait3A_216 = tpu.memref_squeeze %dma_wait3A_215 : memref<1x!tpu.dma_semaphore, #tpu.memory_space<semaphore_mem>> -> memref<!tpu.dma_semaphore, #tpu.memory_space<semaphore_mem>>
    %dma_wait3A_217 = arith.constant 0 : i32
    %dma_wait3A_218 = arith.constant 0 : i32
    %dma_wait3A_219 = tpu.memref_slice %arg4[%dma_wait3A_207, %dma_wait3A_217, %dma_wait3A_218] : memref<3x2000x16xf32, #tpu.memory_space<vmem>> -> memref<1x2000x16xf32, #tpu.memory_space<vmem>>
    %dma_wait3A_220 = tpu.memref_squeeze %dma_wait3A_219 : memref<1x2000x16xf32, #tpu.memory_space<vmem>> -> memref<2000x16xf32, #tpu.memory_space<vmem>>
    %dma_wait3A_221 = arith.constant 0 : i32
    %dma_wait3A_222 = tpu.memref_slice %arg2[%multiple_of3A_206, %dma_wait3A_221] : memref<320000x16xf32, #tpu.memory_space<hbm>> -> memref<2000x16xf32, #tpu.memory_space<hbm>>
    tpu.wait_dma2 semaphore(%dma_wait3A_216 : memref<!tpu.dma_semaphore, #tpu.memory_space<semaphore_mem>>) src(%dma_wait3A_222 : memref<2000x16xf32, #tpu.memory_space<hbm>>) dst(%dma_wait3A_220 : memref<2000x16xf32, #tpu.memory_space<vmem>>)
    %add3A_223 = arith.constant 4000 : i32
    %add3A_224 = arith.addi %multiple_of3A, %add3A_223 : i32
    %multiple_of3A_225 = tpu.assume_multiple %add3A_224, 8 : i32
    %dma_start3A_226 = arith.constant 2 : i32
    %dma_start3A_227 = arith.constant 2 : i32
    %dma_start3A_228 = arith.constant 0 : i32
    %dma_start3A_229 = arith.constant 0 : i32
    %dma_start3A_230 = tpu.memref_slice %arg4[%dma_start3A_226, %dma_start3A_228, %dma_start3A_229] : memref<3x2000x16xf32, #tpu.memory_space<vmem>> -> memref<1x2000x16xf32, #tpu.memory_space<vmem>>
    %dma_start3A_231 = tpu.memref_squeeze %dma_start3A_230 : memref<1x2000x16xf32, #tpu.memory_space<vmem>> -> memref<2000x16xf32, #tpu.memory_space<vmem>>
    %dma_start3A_232 = arith.constant 0 : i32
    %dma_start3A_233 = tpu.memref_slice %arg3[%multiple_of3A_225, %dma_start3A_232] : memref<320000x16xf32, #tpu.memory_space<hbm>> -> memref<2000x16xf32, #tpu.memory_space<hbm>>
    %dma_start3A_234 = tpu.memref_slice %arg6[%dma_start3A_227] : memref<3x!tpu.dma_semaphore, #tpu.memory_space<semaphore_mem>> -> memref<1x!tpu.dma_semaphore, #tpu.memory_space<semaphore_mem>>
    %dma_start3A_235 = tpu.memref_squeeze %dma_start3A_234 : memref<1x!tpu.dma_semaphore, #tpu.memory_space<semaphore_mem>> -> memref<!tpu.dma_semaphore, #tpu.memory_space<semaphore_mem>>
    %dma_start3A_236 = arith.constant 0 : i32
    %dma_start3A_237 = tpu.memref_slice %arg3[%multiple_of3A_225, %dma_start3A_236] : memref<320000x16xf32, #tpu.memory_space<hbm>> -> memref<2000x16xf32, #tpu.memory_space<hbm>>
    %dma_start3A_238 = arith.constant 0 : i32
    %dma_start3A_239 = arith.constant 0 : i32
    %dma_start3A_240 = tpu.memref_slice %arg4[%dma_start3A_226, %dma_start3A_238, %dma_start3A_239] : memref<3x2000x16xf32, #tpu.memory_space<vmem>> -> memref<1x2000x16xf32, #tpu.memory_space<vmem>>
    %dma_start3A_241 = tpu.memref_squeeze %dma_start3A_240 : memref<1x2000x16xf32, #tpu.memory_space<vmem>> -> memref<2000x16xf32, #tpu.memory_space<vmem>>
    tpu.enqueue_dma source(%dma_start3A_241 : memref<2000x16xf32, #tpu.memory_space<vmem>>) target(%dma_start3A_237 : memref<2000x16xf32, #tpu.memory_space<hbm>>) target_semaphore(%dma_start3A_235 : memref<!tpu.dma_semaphore, #tpu.memory_space<semaphore_mem>>)
    %add3A_242 = arith.constant 6000 : i32
    %add3A_243 = arith.addi %multiple_of3A, %add3A_242 : i32
    %multiple_of3A_244 = tpu.assume_multiple %add3A_243, 8 : i32
    %dma_wait3A_245 = arith.constant 0 : i32
    %dma_wait3A_246 = arith.constant 0 : i32
    %dma_wait3A_247 = arith.constant 0 : i32
    %dma_wait3A_248 = arith.constant 0 : i32
    %dma_wait3A_249 = tpu.memref_slice %arg4[%dma_wait3A_245, %dma_wait3A_247, %dma_wait3A_248] : memref<3x2000x16xf32, #tpu.memory_space<vmem>> -> memref<1x2000x16xf32, #tpu.memory_space<vmem>>
    %dma_wait3A_250 = tpu.memref_squeeze %dma_wait3A_249 : memref<1x2000x16xf32, #tpu.memory_space<vmem>> -> memref<2000x16xf32, #tpu.memory_space<vmem>>
    %dma_wait3A_251 = arith.constant 0 : i32
    %dma_wait3A_252 = tpu.memref_slice %arg2[%multiple_of3A_244, %dma_wait3A_251] : memref<320000x16xf32, #tpu.memory_space<hbm>> -> memref<2000x16xf32, #tpu.memory_space<hbm>>
    %dma_wait3A_253 = tpu.memref_slice %arg5[%dma_wait3A_246] : memref<3x!tpu.dma_semaphore, #tpu.memory_space<semaphore_mem>> -> memref<1x!tpu.dma_semaphore, #tpu.memory_space<semaphore_mem>>
    %dma_wait3A_254 = tpu.memref_squeeze %dma_wait3A_253 : memref<1x!tpu.dma_semaphore, #tpu.memory_space<semaphore_mem>> -> memref<!tpu.dma_semaphore, #tpu.memory_space<semaphore_mem>>
    %dma_wait3A_255 = arith.constant 0 : i32
    %dma_wait3A_256 = arith.constant 0 : i32
    %dma_wait3A_257 = tpu.memref_slice %arg4[%dma_wait3A_245, %dma_wait3A_255, %dma_wait3A_256] : memref<3x2000x16xf32, #tpu.memory_space<vmem>> -> memref<1x2000x16xf32, #tpu.memory_space<vmem>>
    %dma_wait3A_258 = tpu.memref_squeeze %dma_wait3A_257 : memref<1x2000x16xf32, #tpu.memory_space<vmem>> -> memref<2000x16xf32, #tpu.memory_space<vmem>>
    %dma_wait3A_259 = arith.constant 0 : i32
    %dma_wait3A_260 = tpu.memref_slice %arg2[%multiple_of3A_244, %dma_wait3A_259] : memref<320000x16xf32, #tpu.memory_space<hbm>> -> memref<2000x16xf32, #tpu.memory_space<hbm>>
    tpu.wait_dma2 semaphore(%dma_wait3A_254 : memref<!tpu.dma_semaphore, #tpu.memory_space<semaphore_mem>>) src(%dma_wait3A_260 : memref<2000x16xf32, #tpu.memory_space<hbm>>) dst(%dma_wait3A_258 : memref<2000x16xf32, #tpu.memory_space<vmem>>)
    %add3A_261 = arith.constant 6000 : i32
    %add3A_262 = arith.addi %multiple_of3A, %add3A_261 : i32
    %multiple_of3A_263 = tpu.assume_multiple %add3A_262, 8 : i32
    %dma_start3A_264 = arith.constant 0 : i32
    %dma_start3A_265 = arith.constant 0 : i32
    %dma_start3A_266 = arith.constant 0 : i32
    %dma_start3A_267 = arith.constant 0 : i32
    %dma_start3A_268 = tpu.memref_slice %arg4[%dma_start3A_264, %dma_start3A_266, %dma_start3A_267] : memref<3x2000x16xf32, #tpu.memory_space<vmem>> -> memref<1x2000x16xf32, #tpu.memory_space<vmem>>
    %dma_start3A_269 = tpu.memref_squeeze %dma_start3A_268 : memref<1x2000x16xf32, #tpu.memory_space<vmem>> -> memref<2000x16xf32, #tpu.memory_space<vmem>>
    %dma_start3A_270 = arith.constant 0 : i32
    %dma_start3A_271 = tpu.memref_slice %arg3[%multiple_of3A_263, %dma_start3A_270] : memref<320000x16xf32, #tpu.memory_space<hbm>> -> memref<2000x16xf32, #tpu.memory_space<hbm>>
    %dma_start3A_272 = tpu.memref_slice %arg6[%dma_start3A_265] : memref<3x!tpu.dma_semaphore, #tpu.memory_space<semaphore_mem>> -> memref<1x!tpu.dma_semaphore, #tpu.memory_space<semaphore_mem>>
    %dma_start3A_273 = tpu.memref_squeeze %dma_start3A_272 : memref<1x!tpu.dma_semaphore, #tpu.memory_space<semaphore_mem>> -> memref<!tpu.dma_semaphore, #tpu.memory_space<semaphore_mem>>
    %dma_start3A_274 = arith.constant 0 : i32
    %dma_start3A_275 = tpu.memref_slice %arg3[%multiple_of3A_263, %dma_start3A_274] : memref<320000x16xf32, #tpu.memory_space<hbm>> -> memref<2000x16xf32, #tpu.memory_space<hbm>>
    %dma_start3A_276 = arith.constant 0 : i32
    %dma_start3A_277 = arith.constant 0 : i32
    %dma_start3A_278 = tpu.memref_slice %arg4[%dma_start3A_264, %dma_start3A_276, %dma_start3A_277] : memref<3x2000x16xf32, #tpu.memory_space<vmem>> -> memref<1x2000x16xf32, #tpu.memory_space<vmem>>
    %dma_start3A_279 = tpu.memref_squeeze %dma_start3A_278 : memref<1x2000x16xf32, #tpu.memory_space<vmem>> -> memref<2000x16xf32, #tpu.memory_space<vmem>>
    tpu.enqueue_dma source(%dma_start3A_279 : memref<2000x16xf32, #tpu.memory_space<vmem>>) target(%dma_start3A_275 : memref<2000x16xf32, #tpu.memory_space<hbm>>) target_semaphore(%dma_start3A_273 : memref<!tpu.dma_semaphore, #tpu.memory_space<semaphore_mem>>)
    %add3A_280 = arith.constant 8000 : i32
    %add3A_281 = arith.addi %multiple_of3A, %add3A_280 : i32
    %multiple_of3A_282 = tpu.assume_multiple %add3A_281, 8 : i32
    %dma_wait3A_283 = arith.constant 1 : i32
    %dma_wait3A_284 = arith.constant 1 : i32
    %dma_wait3A_285 = arith.constant 0 : i32
    %dma_wait3A_286 = arith.constant 0 : i32
    %dma_wait3A_287 = tpu.memref_slice %arg4[%dma_wait3A_283, %dma_wait3A_285, %dma_wait3A_286] : memref<3x2000x16xf32, #tpu.memory_space<vmem>> -> memref<1x2000x16xf32, #tpu.memory_space<vmem>>
    %dma_wait3A_288 = tpu.memref_squeeze %dma_wait3A_287 : memref<1x2000x16xf32, #tpu.memory_space<vmem>> -> memref<2000x16xf32, #tpu.memory_space<vmem>>
    %dma_wait3A_289 = arith.constant 0 : i32
    %dma_wait3A_290 = tpu.memref_slice %arg2[%multiple_of3A_282, %dma_wait3A_289] : memref<320000x16xf32, #tpu.memory_space<hbm>> -> memref<2000x16xf32, #tpu.memory_space<hbm>>
    %dma_wait3A_291 = tpu.memref_slice %arg5[%dma_wait3A_284] : memref<3x!tpu.dma_semaphore, #tpu.memory_space<semaphore_mem>> -> memref<1x!tpu.dma_semaphore, #tpu.memory_space<semaphore_mem>>
    %dma_wait3A_292 = tpu.memref_squeeze %dma_wait3A_291 : memref<1x!tpu.dma_semaphore, #tpu.memory_space<semaphore_mem>> -> memref<!tpu.dma_semaphore, #tpu.memory_space<semaphore_mem>>
    %dma_wait3A_293 = arith.constant 0 : i32
    %dma_wait3A_294 = arith.constant 0 : i32
    %dma_wait3A_295 = tpu.memref_slice %arg4[%dma_wait3A_283, %dma_wait3A_293, %dma_wait3A_294] : memref<3x2000x16xf32, #tpu.memory_space<vmem>> -> memref<1x2000x16xf32, #tpu.memory_space<vmem>>
    %dma_wait3A_296 = tpu.memref_squeeze %dma_wait3A_295 : memref<1x2000x16xf32, #tpu.memory_space<vmem>> -> memref<2000x16xf32, #tpu.memory_space<vmem>>
    %dma_wait3A_297 = arith.constant 0 : i32
    %dma_wait3A_298 = tpu.memref_slice %arg2[%multiple_of3A_282, %dma_wait3A_297] : memref<320000x16xf32, #tpu.memory_space<hbm>> -> memref<2000x16xf32, #tpu.memory_space<hbm>>
    tpu.wait_dma2 semaphore(%dma_wait3A_292 : memref<!tpu.dma_semaphore, #tpu.memory_space<semaphore_mem>>) src(%dma_wait3A_298 : memref<2000x16xf32, #tpu.memory_space<hbm>>) dst(%dma_wait3A_296 : memref<2000x16xf32, #tpu.memory_space<vmem>>)
    %add3A_299 = arith.constant 8000 : i32
    %add3A_300 = arith.addi %multiple_of3A, %add3A_299 : i32
    %multiple_of3A_301 = tpu.assume_multiple %add3A_300, 8 : i32
    %dma_start3A_302 = arith.constant 1 : i32
    %dma_start3A_303 = arith.constant 1 : i32
    %dma_start3A_304 = arith.constant 0 : i32
    %dma_start3A_305 = arith.constant 0 : i32
    %dma_start3A_306 = tpu.memref_slice %arg4[%dma_start3A_302, %dma_start3A_304, %dma_start3A_305] : memref<3x2000x16xf32, #tpu.memory_space<vmem>> -> memref<1x2000x16xf32, #tpu.memory_space<vmem>>
    %dma_start3A_307 = tpu.memref_squeeze %dma_start3A_306 : memref<1x2000x16xf32, #tpu.memory_space<vmem>> -> memref<2000x16xf32, #tpu.memory_space<vmem>>
    %dma_start3A_308 = arith.constant 0 : i32
    %dma_start3A_309 = tpu.memref_slice %arg3[%multiple_of3A_301, %dma_start3A_308] : memref<320000x16xf32, #tpu.memory_space<hbm>> -> memref<2000x16xf32, #tpu.memory_space<hbm>>
    %dma_start3A_310 = tpu.memref_slice %arg6[%dma_start3A_303] : memref<3x!tpu.dma_semaphore, #tpu.memory_space<semaphore_mem>> -> memref<1x!tpu.dma_semaphore, #tpu.memory_space<semaphore_mem>>
    %dma_start3A_311 = tpu.memref_squeeze %dma_start3A_310 : memref<1x!tpu.dma_semaphore, #tpu.memory_space<semaphore_mem>> -> memref<!tpu.dma_semaphore, #tpu.memory_space<semaphore_mem>>
    %dma_start3A_312 = arith.constant 0 : i32
    %dma_start3A_313 = tpu.memref_slice %arg3[%multiple_of3A_301, %dma_start3A_312] : memref<320000x16xf32, #tpu.memory_space<hbm>> -> memref<2000x16xf32, #tpu.memory_space<hbm>>
    %dma_start3A_314 = arith.constant 0 : i32
    %dma_start3A_315 = arith.constant 0 : i32
    %dma_start3A_316 = tpu.memref_slice %arg4[%dma_start3A_302, %dma_start3A_314, %dma_start3A_315] : memref<3x2000x16xf32, #tpu.memory_space<vmem>> -> memref<1x2000x16xf32, #tpu.memory_space<vmem>>
    %dma_start3A_317 = tpu.memref_squeeze %dma_start3A_316 : memref<1x2000x16xf32, #tpu.memory_space<vmem>> -> memref<2000x16xf32, #tpu.memory_space<vmem>>
    tpu.enqueue_dma source(%dma_start3A_317 : memref<2000x16xf32, #tpu.memory_space<vmem>>) target(%dma_start3A_313 : memref<2000x16xf32, #tpu.memory_space<hbm>>) target_semaphore(%dma_start3A_311 : memref<!tpu.dma_semaphore, #tpu.memory_space<semaphore_mem>>)
    %dma_wait3A_318 = arith.constant 2 : i32
    %dma_wait3A_319 = arith.constant 2 : i32
    %dma_wait3A_320 = arith.constant 0 : i32
    %dma_wait3A_321 = arith.constant 0 : i32
    %dma_wait3A_322 = tpu.memref_slice %arg4[%dma_wait3A_318, %dma_wait3A_320, %dma_wait3A_321] : memref<3x2000x16xf32, #tpu.memory_space<vmem>> -> memref<1x2000x16xf32, #tpu.memory_space<vmem>>
    %dma_wait3A_323 = tpu.memref_squeeze %dma_wait3A_322 : memref<1x2000x16xf32, #tpu.memory_space<vmem>> -> memref<2000x16xf32, #tpu.memory_space<vmem>>
    %dma_wait3A_324 = arith.constant 0 : i32
    %dma_wait3A_325 = tpu.memref_slice %arg3[%multiple_of3A_225, %dma_wait3A_324] : memref<320000x16xf32, #tpu.memory_space<hbm>> -> memref<2000x16xf32, #tpu.memory_space<hbm>>
    %dma_wait3A_326 = tpu.memref_slice %arg6[%dma_wait3A_319] : memref<3x!tpu.dma_semaphore, #tpu.memory_space<semaphore_mem>> -> memref<1x!tpu.dma_semaphore, #tpu.memory_space<semaphore_mem>>
    %dma_wait3A_327 = tpu.memref_squeeze %dma_wait3A_326 : memref<1x!tpu.dma_semaphore, #tpu.memory_space<semaphore_mem>> -> memref<!tpu.dma_semaphore, #tpu.memory_space<semaphore_mem>>
    %dma_wait3A_328 = arith.constant 0 : i32
    %dma_wait3A_329 = tpu.memref_slice %arg3[%multiple_of3A_225, %dma_wait3A_328] : memref<320000x16xf32, #tpu.memory_space<hbm>> -> memref<2000x16xf32, #tpu.memory_space<hbm>>
    %dma_wait3A_330 = arith.constant 0 : i32
    %dma_wait3A_331 = arith.constant 0 : i32
    %dma_wait3A_332 = tpu.memref_slice %arg4[%dma_wait3A_318, %dma_wait3A_330, %dma_wait3A_331] : memref<3x2000x16xf32, #tpu.memory_space<vmem>> -> memref<1x2000x16xf32, #tpu.memory_space<vmem>>
    %dma_wait3A_333 = tpu.memref_squeeze %dma_wait3A_332 : memref<1x2000x16xf32, #tpu.memory_space<vmem>> -> memref<2000x16xf32, #tpu.memory_space<vmem>>
    tpu.wait_dma2 semaphore(%dma_wait3A_327 : memref<!tpu.dma_semaphore, #tpu.memory_space<semaphore_mem>>) src(%dma_wait3A_333 : memref<2000x16xf32, #tpu.memory_space<vmem>>) dst(%dma_wait3A_329 : memref<2000x16xf32, #tpu.memory_space<hbm>>)
    %dma_wait3A_334 = arith.constant 0 : i32
    %dma_wait3A_335 = arith.constant 0 : i32
    %dma_wait3A_336 = arith.constant 0 : i32
    %dma_wait3A_337 = arith.constant 0 : i32
    %dma_wait3A_338 = tpu.memref_slice %arg4[%dma_wait3A_334, %dma_wait3A_336, %dma_wait3A_337] : memref<3x2000x16xf32, #tpu.memory_space<vmem>> -> memref<1x2000x16xf32, #tpu.memory_space<vmem>>
    %dma_wait3A_339 = tpu.memref_squeeze %dma_wait3A_338 : memref<1x2000x16xf32, #tpu.memory_space<vmem>> -> memref<2000x16xf32, #tpu.memory_space<vmem>>
    %dma_wait3A_340 = arith.constant 0 : i32
    %dma_wait3A_341 = tpu.memref_slice %arg3[%multiple_of3A_263, %dma_wait3A_340] : memref<320000x16xf32, #tpu.memory_space<hbm>> -> memref<2000x16xf32, #tpu.memory_space<hbm>>
    %dma_wait3A_342 = tpu.memref_slice %arg6[%dma_wait3A_335] : memref<3x!tpu.dma_semaphore, #tpu.memory_space<semaphore_mem>> -> memref<1x!tpu.dma_semaphore, #tpu.memory_space<semaphore_mem>>
    %dma_wait3A_343 = tpu.memref_squeeze %dma_wait3A_342 : memref<1x!tpu.dma_semaphore, #tpu.memory_space<semaphore_mem>> -> memref<!tpu.dma_semaphore, #tpu.memory_space<semaphore_mem>>
    %dma_wait3A_344 = arith.constant 0 : i32
    %dma_wait3A_345 = tpu.memref_slice %arg3[%multiple_of3A_263, %dma_wait3A_344] : memref<320000x16xf32, #tpu.memory_space<hbm>> -> memref<2000x16xf32, #tpu.memory_space<hbm>>
    %dma_wait3A_346 = arith.constant 0 : i32
    %dma_wait3A_347 = arith.constant 0 : i32
    %dma_wait3A_348 = tpu.memref_slice %arg4[%dma_wait3A_334, %dma_wait3A_346, %dma_wait3A_347] : memref<3x2000x16xf32, #tpu.memory_space<vmem>> -> memref<1x2000x16xf32, #tpu.memory_space<vmem>>
    %dma_wait3A_349 = tpu.memref_squeeze %dma_wait3A_348 : memref<1x2000x16xf32, #tpu.memory_space<vmem>> -> memref<2000x16xf32, #tpu.memory_space<vmem>>
    tpu.wait_dma2 semaphore(%dma_wait3A_343 : memref<!tpu.dma_semaphore, #tpu.memory_space<semaphore_mem>>) src(%dma_wait3A_349 : memref<2000x16xf32, #tpu.memory_space<vmem>>) dst(%dma_wait3A_345 : memref<2000x16xf32, #tpu.memory_space<hbm>>)
    %dma_wait3A_350 = arith.constant 1 : i32
    %dma_wait3A_351 = arith.constant 1 : i32
    %dma_wait3A_352 = arith.constant 0 : i32
    %dma_wait3A_353 = arith.constant 0 : i32
    %dma_wait3A_354 = tpu.memref_slice %arg4[%dma_wait3A_350, %dma_wait3A_352, %dma_wait3A_353] : memref<3x2000x16xf32, #tpu.memory_space<vmem>> -> memref<1x2000x16xf32, #tpu.memory_space<vmem>>
    %dma_wait3A_355 = tpu.memref_squeeze %dma_wait3A_354 : memref<1x2000x16xf32, #tpu.memory_space<vmem>> -> memref<2000x16xf32, #tpu.memory_space<vmem>>
    %dma_wait3A_356 = arith.constant 0 : i32
    %dma_wait3A_357 = tpu.memref_slice %arg3[%multiple_of3A_301, %dma_wait3A_356] : memref<320000x16xf32, #tpu.memory_space<hbm>> -> memref<2000x16xf32, #tpu.memory_space<hbm>>
    %dma_wait3A_358 = tpu.memref_slice %arg6[%dma_wait3A_351] : memref<3x!tpu.dma_semaphore, #tpu.memory_space<semaphore_mem>> -> memref<1x!tpu.dma_semaphore, #tpu.memory_space<semaphore_mem>>
    %dma_wait3A_359 = tpu.memref_squeeze %dma_wait3A_358 : memref<1x!tpu.dma_semaphore, #tpu.memory_space<semaphore_mem>> -> memref<!tpu.dma_semaphore, #tpu.memory_space<semaphore_mem>>
    %dma_wait3A_360 = arith.constant 0 : i32
    %dma_wait3A_361 = tpu.memref_slice %arg3[%multiple_of3A_301, %dma_wait3A_360] : memref<320000x16xf32, #tpu.memory_space<hbm>> -> memref<2000x16xf32, #tpu.memory_space<hbm>>
    %dma_wait3A_362 = arith.constant 0 : i32
    %dma_wait3A_363 = arith.constant 0 : i32
    %dma_wait3A_364 = tpu.memref_slice %arg4[%dma_wait3A_350, %dma_wait3A_362, %dma_wait3A_363] : memref<3x2000x16xf32, #tpu.memory_space<vmem>> -> memref<1x2000x16xf32, #tpu.memory_space<vmem>>
    %dma_wait3A_365 = tpu.memref_squeeze %dma_wait3A_364 : memref<1x2000x16xf32, #tpu.memory_space<vmem>> -> memref<2000x16xf32, #tpu.memory_space<vmem>>
    tpu.wait_dma2 semaphore(%dma_wait3A_359 : memref<!tpu.dma_semaphore, #tpu.memory_space<semaphore_mem>>) src(%dma_wait3A_365 : memref<2000x16xf32, #tpu.memory_space<vmem>>) dst(%dma_wait3A_361 : memref<2000x16xf32, #tpu.memory_space<hbm>>)
    return
  }
}

module attributes {stable_mosaic.version = 14 : i64} {
  func.func @_tc_copy_body(%arg0: i32, %arg1: memref<1000x128xf32, #tpu.memory_space<vmem>>, %arg2: memref<1000x128xf32, #tpu.memory_space<vmem>>) attributes {dimension_semantics = [#tpu.dimension_semantics<arbitrary>], iteration_bounds = array<i64: 10>, scalar_prefetch = 0 : i64, scratch_operands = 0 : i64, tpu.core_type = #tpu.core_type<tc>, window_params = [{transform_indices = @transform_0, window_bounds = array<i64: 1000, 128>}, {transform_indices = @transform_1, window_bounds = array<i64: 1000, 128>}]} {
    %get3A = arith.constant 0 : index
    %get3A_0 = arith.constant 0 : index
    %get3A_1 = vector.load %arg1[%get3A, %get3A_0] : memref<1000x128xf32, #tpu.memory_space<vmem>>, vector<1000x128xf32>
    %swap3A = arith.constant 0 : index
    %swap3A_2 = arith.constant 0 : index
    %swap3A_3 = vector.load %arg2[%swap3A, %swap3A_2] : memref<1000x128xf32, #tpu.memory_space<vmem>>, vector<1000x128xf32>
    tpu.vector_store %arg2[%swap3A, %swap3A_2], %get3A_1 {strides = array<i32>} : memref<1000x128xf32, #tpu.memory_space<vmem>>, vector<1000x128xf32>,
    return
  }
  func.func @transform_0(%arg0: i32) -> (i32, i32) {
    %c0_i32 = arith.constant 0 : i32
    %c0_i32_0 = arith.constant 0 : i32
    return %arg0, %c0_i32 : i32, i32
  }
  func.func @transform_1(%arg0: i32) -> (i32, i32) {
    %c0_i32 = arith.constant 0 : i32
    %c0_i32_0 = arith.constant 0 : i32
    return %arg0, %c0_i32 : i32, i32
  }
}

</mosaic_0001>

<sc_bundles>
// kernel: kernel.4.cloned.1.call-start
scs
__scs_entry_jumppad:
0x0: {  	(pc) =	sbr.rel $0x88, $3  }
0x1: {  	(tag) =	ssettag $0x0;
	lr =	simm.s32 $0x1  }
0x2: {  	[smem:$0x3F9F] =	sst lr;
	_ =	strace $0xD0000000  }
0x3: {  	_ = 	snop  }
0x4: {  	_ = 	snop  }
0x5: {  	_ = 	snop  }
0x6: {  	_ = 	snop  }
0x7: {  	_ = 	snop  }
__scs_overlays_trampoline_lowered:
0x8: {  	[smem:$0x3FAE] =	sst s0  }
0x9: {  	[smem:$0x3FAF] =	sst s1  }
0xa: {  	[smem:$0x3FB0] =	sst s2  }
0xb: {  	[smem:$0x3FB1] =	sst s3  }
0xc: {  	[smem:$0x3FB2] =	sst s4  }
0xd: {  	[smem:$0x3FB3] =	sst s5  }
0xe: {  	[smem:$0x3FB4] =	sst s6  }
0xf: {  	[smem:$0x3FB5] =	sst s7  }
0x10: {  	[smem:$0x3FB6] =	sst s8  }
0x11: {  	[smem:$0x3FB7] =	sst s9;
	s0 =	simm.s32 @!p0 $0x0  }
0x12: {  	s1 =	sld [smem:$0x3F9D];
	s0 =	simm.s32 @p0 $0x1  }
0x13: {  	[smem:$0x3FB8] =	sst s0;
	s0 =	simm.s32 @!p1 $0x0  }
0x14: {  	s2 =	sld [smem:$0x3F9C];
	s0 =	simm.s32 @p1 $0x1  }
0x15: {  	[smem:$0x3FB9] =	sst s0;
	s0 =	simm.s32 @!p2 $0x0  }
0x16: {  	s3 =	sld [smem:$0x3FDB];
	s0 =	simm.s32 @p2 $0x1  }
0x17: {  	s4 =	simm.s32 $0x1BF5;
	[smem:$0x3FBB] =	sst s0  }
0x18: {  	s0 =	sld [smem:$0x3F9E];
	_ =	swait.ge [sflag:s4], $0x0  }
0x19: {  	s7 =	sld [smem:$0x3F9F]  }
0x1a: {  	s8 =	sadd.s32 $0xFFFFE003, lr  }
0x1b: {  	s9 =	sadd.s32 $0xFFFFFEF7, lr;
	s5 =	simm.s32 $0xFFFFFFFF;
	p2 =	slt.u32 s8, $0xFFFFF086  }
0x1c: {  	p1 =	slt.u32 s9, $0xF7A;
	s5 =	simm.s32 @!p2 $0x0  }
0x1d: {  	s5 =	simm.s32 @p1 $0x1;
	p0 =	seq.s32 s7, s2  }
0x1e: {  	s7 =	smul.u32 @!p0 $0xF7A, s2;
	p2 =	seq.s32 @!p0 s5, $0x0  }
0x1f: {  	s9 =	smul.u32 $0xF7A, s1;
	s8 =	simm.s32 @!p0 $0x1BF5;
	p2 =	por !p2, p0  }
0x20: {  	[sflag:s8] =	ssyncset.s32 @!p0 $0xFFFFF086;
	s6 =	sadd.s32 @!p0 s3, s7;
	s7 =	simm.s32 @!p0 $0x108  }
0x21: {  	s3 =	sadd.s32 s3, s9;
	s6 =	sadd.s32 @!p0 $0x88, s6;
	s7 =	simm.s32 @p2 $0x1082  }
0x22: {  	[simem:s7], [sflag:s8] =	dma.local @!p0 [hbm:s6], $0xF7A  }
0x23: {  	s9 =	sor.u32 $0xD0000000, s2;
	s6 =	simm.s32 $0x108;
	_ =	swait.ge @!p0 [sflag:s8], $0x0  }
0x24: {  	s3 =	sadd.s32 $0x88, s3;
	s6 =	simm.s32 @!p1 $0x1082;
	[sflag:s4] =	ssyncset.s32 $0xFFFFF086  }
0x25: {  	[simem:s6], [sflag:s4] =	dma.local [hbm:s3], $0xF7A  }
0x26: {  	[smem:$0x3F9F] =	sst s1;
	(tag) =	ssettag s2;
	_ =	strace s9  }
0x27: {  	s1 =	sld [smem:$0x3FAF]  }
0x28: {  	s2 =	sld [smem:$0x3FB0]  }
0x29: {  	s4 =	sld [smem:$0x3FB2]  }
0x2a: {  	p0 =	seq.s32 s5, $0x0;
	s5 =	sld [smem:$0x3FB3]  }
0x2b: {  	s6 =	sld [smem:$0x3FB4]  }
0x2c: {  	s7 =	sld [smem:$0x3FB5]  }
0x2d: {  	s3 =	simm.s32 $0x108;
	s8 =	sld [smem:$0x3FB6]  }
0x2e: {  	s3 =	simm.s32 @!p0 $0x1082;
	s9 =	sld [smem:$0x3FB7]  }
0x2f: {  	lr =	sadd.s32 s0, s3;
	s0 =	sld [smem:$0x3FAE]  }
0x30: {  	s3 =	sld [smem:$0x3FB1]  }
0x31: {  	[smem:$0x3FBA] =	sst s10  }
0x32: {  	s10 =	sld [smem:$0x3FB8];
	_ =	sdelay $0x3  }
0x33: {  	p0 =	seq.s32 s10, $0x1;
	s10 =	sld [smem:$0x3FBA];
	_ =	sdelay $0x3  }
0x34: {  	[smem:$0x3FBA] =	sst s10  }
0x35: {  	s10 =	sld [smem:$0x3FB9];
	_ =	sdelay $0x3  }
0x36: {  	p1 =	seq.s32 s10, $0x1;
	s10 =	sld [smem:$0x3FBA];
	_ =	sdelay $0x3  }
0x37: {  	[smem:$0x3FBA] =	sst s10  }
0x38: {  	s10 =	sld [smem:$0x3FBB]  }
0x39: {  	_ = 	snop;
	(pc) =	sbr.ind lr, $3  }
0x3a: {  	_ = 	snop  }
0x3b: {  	_ = 	snop  }
0x3c: {  	p2 =	seq.s32 s10, $0x1;
	s10 =	sld [smem:$0x3FBA]  }
0x3d: {  	_ =	shalt  }
0x3e: {  	_ =	shalt  }
0x3f: {  	_ =	shalt  }
0x40: {  	_ =	shalt  }
0x41: {  	_ =	shalt  }
0x42: {  	_ =	shalt  }
0x43: {  	_ =	shalt  }
0x44: {  	_ =	shalt  }
0x45: {  	_ =	shalt  }
0x46: {  	_ =	shalt  }
0x47: {  	_ =	shalt  }
0x48: {  	_ =	shalt  }
0x49: {  	_ =	shalt  }
0x4a: {  	_ =	shalt  }
0x4b: {  	_ =	shalt  }
0x4c: {  	_ =	shalt  }
0x4d: {  	_ =	shalt  }
0x4e: {  	_ =	shalt  }
0x4f: {  	_ =	shalt  }
0x50: {  	_ =	shalt  }
0x51: {  	_ =	shalt  }
0x52: {  	_ =	shalt  }
0x53: {  	_ =	shalt  }
0x54: {  	_ =	shalt  }
0x55: {  	_ =	shalt  }
0x56: {  	_ =	shalt  }
0x57: {  	_ =	shalt  }
0x58: {  	_ =	shalt  }
0x59: {  	_ =	shalt  }
0x5a: {  	_ =	shalt  }
0x5b: {  	_ =	shalt  }
0x5c: {  	_ =	shalt  }
0x5d: {  	_ =	shalt  }
0x5e: {  	_ =	shalt  }
0x5f: {  	_ =	shalt  }
0x60: {  	_ =	shalt  }
0x61: {  	_ =	shalt  }
0x62: {  	_ =	shalt  }
0x63: {  	_ =	shalt  }
0x64: {  	_ =	shalt  }
0x65: {  	_ =	shalt  }
0x66: {  	_ =	shalt  }
0x67: {  	_ =	shalt  }
0x68: {  	_ =	shalt  }
0x69: {  	_ =	shalt  }
0x6a: {  	_ =	shalt  }
0x6b: {  	_ =	shalt  }
0x6c: {  	_ =	shalt  }
0x6d: {  	_ =	shalt  }
0x6e: {  	_ =	shalt  }
0x6f: {  	_ =	shalt  }
0x70: {  	_ =	shalt  }
0x71: {  	_ =	shalt  }
0x72: {  	_ =	shalt  }
0x73: {  	_ =	shalt  }
0x74: {  	_ =	shalt  }
0x75: {  	_ =	shalt  }
0x76: {  	_ =	shalt  }
0x77: {  	_ =	shalt  }
0x78: {  	_ =	shalt  }
0x79: {  	_ =	shalt  }
0x7a: {  	_ =	shalt  }
0x7b: {  	_ =	shalt  }
0x7c: {  	_ =	shalt  }
0x7d: {  	_ =	shalt  }
0x7e: {  	_ =	shalt  }
0x7f: {  	_ =	shalt  }
0x80: {  	_ =	shalt  }
0x81: {  	_ =	shalt  }
0x82: {  	_ =	shalt  }
0x83: {  	_ =	shalt  }
0x84: {  	_ =	shalt  }
0x85: {  	_ =	shalt  }
0x86: {  	_ =	shalt  }
0x87: {  	_ =	shalt  }
.Lfunc_end0:
.L_simem_size_0:
called_computation_lowered:
.L_overlay_start_0:
0x88: {  	s2 =	sld [smem:$0x3FD9]  }
0x89: {  	s3 =	sld [smem:$0x3FFE];
	_ =	sdelay $0x1  }
0x8a: {  	s1 =	srdreg.scid  }
0x8b: {  	s0 =	sand.u32 $0x1, s1  }
0x8c: {  	s14 =	sshll.u32 s0, $0xA;
	s2 =	sadd.s32 s3, s2  }
0x8d: {  	s2 =	sadd.s32 s2, s14  }
0x8e: {  	[smem:$0x3FC6] =	sst s2  }
0x8f: {  	_ = 	snop  }
0x90: {  	s2 =	sld [smem:$0x3FD0];
	_ =	sdelay $0x2  }
0x91: {  	s15 =	simm.s32 $0xA;
	s4 =	simm.s32 $0x10  }
0x92: {  	[smem:s4], [sflag:s15] =	dma.local [hbm:s2], $0x1  }
0x93: {  	_ =	swait.eq [sflag:s15], $0x1  }
0x94: {  	[sflag:s15] =	ssyncset.done $0x0  }
0x95: {  	[sflag:s15] =	ssyncadd.s32 $0xFFFFFFFF  }
0x96: {  	s16 =	sld [smem:$0x11];
	(tm) =	ssettm $0x1  }
0x97: {  	s17 =	sld [smem:$0x3FFB];
	_ =	sdelay $0x3  }
0x98: {  	_ =	strace s17  }
0x99: {  	s3 =	sld [smem:$0x3FFC];
	_ =	sdelay $0x3  }
0x9a: {  	_ =	strace s3  }
0x9b: {  	s3 =	sld [smem:$0x3FFD];
	_ =	sdelay $0x3  }
0x9c: {  	_ =	strace s3  }
0x9d: {  	_ =	strace $0x8FFFFFFF  }
0x9e: {  	s18 =	sld [smem:$0x3FDB];
	_ =	sdelay $0x1  }
0x9f: {  	s19 =	simm.s32 $_scs_section_size  }
0xa0: {  	s5 =	simm.s32 $_size__tile_overlayer_lowered;
	s6 =	simm.s32 $_tile_overlayer_lowered  }
0xa1: {  	s22 =	simm.s32 $0x1BFF;
	s21 =	sshll.u32 s6, $0x1;
	s3 =	sadd.s32 s19, s18  }
0xa2: {  	s7 =	simm.s32 $0x0;
	s20 =	sshll.u32 s5, $0x1;
	s5 =	sadd.s32 s21, s3  }
0xa3: {  	[timem:s7], [sflag:s22] =	dma.local [hbm:s5], s20  }
0xa4: {  	_ =	swait.ge [sflag:s22], s20  }
0xa5: {  	s4 =	ssub.s32 $0x0, s20;
	[sflag:s22] =	ssyncset.done $0x0  }
0xa6: {  	[sflag:s22] =	ssyncadd.s32 s4;
	_ =	sdelay $0x1  }
0xa7: {  	s23 =	simm.s32 $0x1B8B  }
0xa8: {  	_ =	swait.ge [sflag:s23], $0x1  }
0xa9: {  	[sflag:s23] =	ssyncset.done $0x0  }
0xaa: {  	s25 =	simm.s32 $0x1B8E;
	s24 =	sld [smem:$0x3FFE];
	[sflag:s23] =	ssyncadd.s32 $0xFFFFFFFF  }
0xab: {  	s26 =	simm.s32 $execute0_lowered;
	[smem:$0x3FD2] =	sst s25  }
0xac: {  	s5 =	sshll.u32 s26, $0x1;
	_ =	strace $0x80000046;
	[dreg:$0x1] =	wrdreg $0xFFFFFFFF  }
0xad: {  	s28 =	simm.s32 $_size_execute0_lowered;
	s3 =	sadd.s32 s3, s5;
	[dreg:$0x0] =	wrdreg $0x0  }
0xae: {  	s5 =	sshll.u32 s28, $0x1;
	[dreg:$0x2] =	wrdreg s3  }
0xaf: {  	[dreg:$0x3] =	wrdreg s5  }
0xb0: {  	[dreg:$0x4] =	wrdreg $0xC0  }
0xb1: {  	_ =	task [dreg:s7], $0x5FFFF  }
0xb2: {  	[dreg:$0x1] =	wrdreg $0xFFFFFFFF  }
0xb3: {  	[dreg:$0x0] =	wrdreg $0x60  }
0xb4: {  	[dreg:$0x2] =	wrdreg s16  }
0xb5: {  	[dreg:$0x3] =	wrdreg s24  }
0xb6: {  	[dreg:$0x4] =	wrdreg $0x9  }
0xb7: {  	_ =	task.clear_ibuf [dreg:s7], $0x5FFFF;
	_ =	strace $0x90000046  }
0xb8: {  	s29 =	simm.s32 $0x9;
	_ =	strace $0x80000048  }
0xb9: {  	_ =	swait.ge [sflag:s29], $0x1  }
0xba: {  	[sflag:s29] =	ssyncadd.s32 $0xFFFFFFFF  }
0xbb: {  	_ =	strace $0x90000048  }
0xbc: {  	_ =	sfence  }
0xbd: {  	s30 =	sld [smem:$0x0];
	_ =	sdelay $0x2  }
0xbe: {  	s31 =	sshll.u32 s1, $0xD;
	s1 =	sshrl.u32 s1, $0x2  }
0xbf: {  	s3 =	sand.u32 $0x4000, s31;
	s1 =	sadd.s32 s1, s30  }
0xc0: {  	s0 =	sor.u32 s3, s0;
	s1 =	sshll.u32 s1, $0x11  }
0xc1: {  	s0 =	sor.u32 s1, s0  }
0xc2: {  	s0 =	sadd.s32 $0x8F2B, s0  }
0xc3: {  	[sflag:s0] =	ssyncadd.remote.s32 $0x1  }
0xc4: {  	_ =	sfence.sel $0xFFFF  }
0xc5: {  	[dreg:$0x0] =	wrdreg $0xFFFFFFFF;
	(pc) =	sbr.abs _section_cstart, $3  }
0xc6: {  	[dreg:$0x1] =	wrdreg $0xFFFFFFFF  }
0xc7: {  	_ =	task.clear_ibuf [dreg:s7], $0x2FFFF;
	_ =	strace $0x9FFFFFFF  }
0xc8: {  	(tm) =	ssettm $0x7FFFFFFF  }
0xc9: {  	_ =	shalt  }
tec
execute0_lowered:
.L_overlay_start_1:
0x0: {  	(tag) =	ssettag $0x1  }
0x1: {  	s1 =	srdreg.scid;
	s0 =	stileid.u32  }
0x2: {  	s21 =	sand.u32 $0x1, s1;
	s31 =	sshll.u32 s0, $0x1  }
0x3: {  	s15 =	rddreg [dreg:$0x0];
	s3 =	sor.u32 s21, s31  }
0x4: {  	s9 =	rddreg [dreg:$0x1];
	s4 =	smul.u32 $0x27100, s3  }
0x5: {  	s2 =	simm.s32 $0x0;
	s1 =	rddreg [dreg:$0x2];
	s10 =	smul.u32 $0x4E20, s3  }
0x6: {  	[smem:$0x7FF] =	sst s2;
	s16 =	sshrl.u32 s4, $0x3  }
0x7: {  	_ =	strace $0x80000047;
	s3 =	sadd.s32 s15, s10;
	s13 =	sadd.s32 $0xFA0, s16  }
0x8: {  	[tilespmem:s2], [sflag:$0x1] =	stream.linear.gather [hbm4b:s3+s2], $0x7D00, $0x38;
	[tilespmem:$0x17700] =	vst v63  }
0x9: {  	s5 =	simm.s32 $0x7D00;
	s17 =	sadd.s32 $0x1F40, s16;
	s4 =	sadd.s32 s15, s13  }
0xa: {  	[tilespmem:s5], [sflag:$0x2] =	stream.linear.gather [hbm4b:s4+s2], $0x7D00, $0x38;
	[tilespmem:$0x17700] =	vst v63  }
0xb: {  	s7 =	simm.s32 $0xFA00;
	s8 =	simm.s32 $0x1;
	s6 =	sadd.s32 s15, s17  }
0xc: {  	[tilespmem:s7], [sflag:$0x3] =	stream.linear.gather [hbm4b:s6+s2], $0x7D00, $0x38;
	[tilespmem:$0x17700] =	vst v63  }
0xd: {  	_ =	swait.ge [sflag:s8], $0x7D00  }
0xe: {  	s19 =	sadd.s32 $0xC00, s9;
	[sflag:s8] =	ssyncset.done $0x0  }
0xf: {  	s9 =	sadd.s32 s19, s10;
	s10 =	simm.s32 $0x4;
	[sflag:s8] =	ssyncadd.s32 $0xFFFF8300  }
0x10: {  	[hbm4b:s9+s2] =	stream.linear.scatter [tilespmem:s2], [sflag:$0x4], $0x7D00, $0x38;
	[tilespmem:$0x17700] =	vst v63  }
0x11: {  	_ =	swait.ge [sflag:s10], $0x7D00  }
0x12: {  	s18 =	sadd.s32 $0x2EE0, s16;
	[sflag:s10] =	ssyncset.done $0x0  }
0x13: {  	s12 =	simm.s32 $0x2;
	s11 =	sadd.s32 s15, s18;
	[sflag:s10] =	ssyncadd.s32 $0xFFFF8300  }
0x14: {  	[tilespmem:s2], [sflag:$0x1] =	stream.linear.gather [hbm4b:s11+s2], $0x7D00, $0x38;
	[tilespmem:$0x17700] =	vst v63  }
0x15: {  	_ =	swait.ge [sflag:s12], $0x7D00  }
0x16: {  	[sflag:s12] =	ssyncset.done $0x0  }
0x17: {  	s14 =	sadd.s32 s19, s13;
	s13 =	simm.s32 $0x5;
	[sflag:s12] =	ssyncadd.s32 $0xFFFF8300  }
0x18: {  	[hbm4b:s14+s2] =	stream.linear.scatter [tilespmem:s5], [sflag:$0x5], $0x7D00, $0x38;
	[tilespmem:$0x17700] =	vst v63  }
0x19: {  	_ =	swait.ge [sflag:s13], $0x7D00  }
0x1a: {  	s20 =	sadd.s32 $0x3E80, s16;
	[sflag:s13] =	ssyncset.done $0x0  }
0x1b: {  	s16 =	simm.s32 $0x3;
	s15 =	sadd.s32 s15, s20;
	[sflag:s13] =	ssyncadd.s32 $0xFFFF8300  }
0x1c: {  	[tilespmem:s5], [sflag:$0x2] =	stream.linear.gather [hbm4b:s15+s2], $0x7D00, $0x38;
	[tilespmem:$0x17700] =	vst v63  }
0x1d: {  	_ =	swait.ge [sflag:s16], $0x7D00  }
0x1e: {  	[sflag:s16] =	ssyncset.done $0x0  }
0x1f: {  	s17 =	sadd.s32 s19, s17;
	[sflag:s16] =	ssyncadd.s32 $0xFFFF8300  }
0x20: {  	[hbm4b:s17+s2] =	stream.linear.scatter [tilespmem:s7], [sflag:$0x6], $0x7D00, $0x38;
	[tilespmem:$0x17700] =	vst v63  }
0x21: {  	_ =	swait.ge [sflag:s8], $0x7D00  }
0x22: {  	[sflag:s8] =	ssyncset.done $0x0  }
0x23: {  	s18 =	sadd.s32 s19, s18;
	[sflag:s8] =	ssyncadd.s32 $0xFFFF8300  }
0x24: {  	[hbm4b:s18+s2] =	stream.linear.scatter [tilespmem:s2], [sflag:$0x4], $0x7D00, $0x38;
	[tilespmem:$0x17700] =	vst v63  }
0x25: {  	s21 =	ssub.s32 $0x2, s21;
	_ =	swait.ge [sflag:s12], $0x7D00  }
0x26: {  	s22 =	sshrl.u32 s21, $0x1;
	[sflag:s12] =	ssyncset.done $0x0  }
0x27: {  	s19 =	sadd.s32 s19, s20;
	s20 =	simm.s32 $0x6;
	[sflag:s12] =	ssyncadd.s32 $0xFFFF8300  }
0x28: {  	[hbm4b:s19+s2] =	stream.linear.scatter [tilespmem:s5], [sflag:$0x5], $0x7D00, $0x38;
	[tilespmem:$0x17700] =	vst v63  }
0x29: {  	s21 =	ssub.s32 s21, s22;
	_ =	swait.ge [sflag:s20], $0x7D00  }
0x2a: {  	s21 =	smax.u32 s21, $0x1;
	[sflag:s20] =	ssyncset.done $0x0  }
0x2b: {  	p0 =	sne.s32 s21, $0x1;
	[sflag:s20] =	ssyncadd.s32 $0xFFFF8300  }
.Ltmp0:
0x2c: {  	_ =	swait.ge [sflag:s10], $0x7D00;
	(pc) =	sbr.rel @!p0 .LBB2_2-.Ltmp0, $4  }
0x2d: {  	[sflag:s10] =	ssyncset.done $0x0  }
0x2e: {  	[sflag:s10] =	ssyncadd.s32 $0xFFFF8300  }
0x2f: {  	_ =	swait.ge [sflag:s13], $0x7D00  }
0x30: {  	s21 =	sadd.s32 $0xFFFFFFFF, s21;
	[sflag:s13] =	ssyncset.done $0x0  }
.LBB2_1:
0x31: {  	p0 =	sne.s32 s21, $0x1;
	s21 =	sadd.s32 $0xFFFFFFFF, s21;
	[sflag:s13] =	ssyncadd.s32 $0xFFFF8300  }
0x32: {  	[tilespmem:s2], [sflag:$0x1] =	stream.linear.gather [hbm4b:s3+s2], $0x7D00, $0x38;
	[tilespmem:$0x17700] =	vst v63  }
0x33: {  	_ = 	snop  }
0x34: {  	[tilespmem:s5], [sflag:$0x2] =	stream.linear.gather [hbm4b:s4+s2], $0x7D00, $0x38;
	[tilespmem:$0x17700] =	vst v63  }
0x35: {  	_ = 	snop  }
0x36: {  	[tilespmem:s7], [sflag:$0x3] =	stream.linear.gather [hbm4b:s6+s2], $0x7D00, $0x38;
	[tilespmem:$0x17700] =	vst v63  }
0x37: {  	_ =	swait.ge [sflag:s8], $0x7D00  }
0x38: {  	[sflag:s8] =	ssyncset.done $0x0  }
0x39: {  	[sflag:s8] =	ssyncadd.s32 $0xFFFF8300  }
0x3a: {  	[hbm4b:s9+s2] =	stream.linear.scatter [tilespmem:s2], [sflag:$0x4], $0x7D00, $0x38;
	[tilespmem:$0x17700] =	vst v63  }
0x3b: {  	_ =	swait.ge [sflag:s10], $0x7D00  }
0x3c: {  	[sflag:s10] =	ssyncset.done $0x0  }
0x3d: {  	[sflag:s10] =	ssyncadd.s32 $0xFFFF8300  }
0x3e: {  	[tilespmem:s2], [sflag:$0x1] =	stream.linear.gather [hbm4b:s11+s2], $0x7D00, $0x38;
	[tilespmem:$0x17700] =	vst v63  }
0x3f: {  	_ =	swait.ge [sflag:s12], $0x7D00  }
0x40: {  	[sflag:s12] =	ssyncset.done $0x0  }
0x41: {  	[sflag:s12] =	ssyncadd.s32 $0xFFFF8300  }
0x42: {  	[hbm4b:s14+s2] =	stream.linear.scatter [tilespmem:s5], [sflag:$0x5], $0x7D00, $0x38;
	[tilespmem:$0x17700] =	vst v63  }
0x43: {  	_ =	swait.ge [sflag:s13], $0x7D00  }
0x44: {  	[sflag:s13] =	ssyncset.done $0x0  }
0x45: {  	[sflag:s13] =	ssyncadd.s32 $0xFFFF8300  }
0x46: {  	[tilespmem:s5], [sflag:$0x2] =	stream.linear.gather [hbm4b:s15+s2], $0x7D00, $0x38;
	[tilespmem:$0x17700] =	vst v63  }
0x47: {  	_ =	swait.ge [sflag:s16], $0x7D00  }
0x48: {  	[sflag:s16] =	ssyncset.done $0x0  }
0x49: {  	[sflag:s16] =	ssyncadd.s32 $0xFFFF8300  }
0x4a: {  	[hbm4b:s17+s2] =	stream.linear.scatter [tilespmem:s7], [sflag:$0x6], $0x7D00, $0x38;
	[tilespmem:$0x17700] =	vst v63  }
0x4b: {  	_ =	swait.ge [sflag:s8], $0x7D00  }
0x4c: {  	[sflag:s8] =	ssyncset.done $0x0  }
0x4d: {  	[sflag:s8] =	ssyncadd.s32 $0xFFFF8300  }
0x4e: {  	[hbm4b:s18+s2] =	stream.linear.scatter [tilespmem:s2], [sflag:$0x4], $0x7D00, $0x38;
	[tilespmem:$0x17700] =	vst v63  }
0x4f: {  	_ =	swait.ge [sflag:s12], $0x7D00  }
0x50: {  	[sflag:s12] =	ssyncset.done $0x0  }
0x51: {  	[sflag:s12] =	ssyncadd.s32 $0xFFFF8300  }
0x52: {  	[hbm4b:s19+s2] =	stream.linear.scatter [tilespmem:s5], [sflag:$0x5], $0x7D00, $0x38;
	[tilespmem:$0x17700] =	vst v63  }
0x53: {  	_ =	swait.ge [sflag:s20], $0x7D00  }
0x54: {  	[sflag:s20] =	ssyncset.done $0x0  }
0x55: {  	[sflag:s20] =	ssyncadd.s32 $0xFFFF8300  }
.Ltmp1:
0x56: {  	_ =	swait.ge [sflag:s10], $0x7D00;
	(pc) =	sbr.rel @p0 .LBB2_1-.Ltmp1, $4  }
0x57: {  	[sflag:s10] =	ssyncset.done $0x0  }
0x58: {  	[sflag:s10] =	ssyncadd.s32 $0xFFFF8300  }
0x59: {  	_ =	swait.ge [sflag:s13], $0x7D00  }
0x5a: {  	[sflag:s13] =	ssyncset.done $0x0  }
.LBB2_2:
0x5b: {  	[sflag:s13] =	ssyncadd.s32 $0xFFFF8300  }
0x5c: {  	_ =	sfence.sel $0x180000  }
0x5d: {  	[bflag:$0x0] =	sbarrier.arrive $0xFFFF  }
0x5e: {  	p0 =	sne.s32 s0, $0x0;
	_ =	strace $0x90000047  }
0x5f: {  	s0 =	sadd.s32 @!p0 $0x100000, s1;
	[bflag:$0x2] =	sbarrier.arrive $0xFFFF  }
0x60: {  	[sflag:s0] =	ssyncadd.tile.s32 @!p0 $0x1;
	_ =	shalt  }
.Lfunc_end2:
_tile_overlayer_lowered:
.L_overlay_start_2:
0x61: {  	(tag) =	ssettag $0x2  }
0x62: {  	s0 =	rddreg [dreg:$0x0];
	s2 =	stileid.u32  }
0x63: {  	s1 =	rddreg [dreg:$0x1];
	p0 =	sne.s32 s2, $0x0  }
0x64: {  	s3 =	rddreg [dreg:$0x2];
	[bflag:$0x3] =	sbarrier.arrive $0xFFFF;
	s2 =	simm.s32 @!p0 $0x1C07  }
0x65: {  	[timem:s3], [sflag:s2] =	dma.local @!p0 [hbm:s0], s1  }
0x66: {  	s0 =	simm.s32 @!p0 $0x7  }
0x67: {  	_ =	swait.ge @!p0 [sflag:s0], s1  }
0x68: {  	s1 =	ssub.s32 @!p0 $0x0, s1;
	[sflag:s0] =	ssyncset.done @!p0 $0x0  }
0x69: {  	[sflag:s0] =	ssyncadd.s32 @!p0 s1  }
0x6a: {  	[bflag:$0x3] =	sbarrier.arrive $0xFFFF  }
0x6b: {  	_ =	shalt  }

</sc_bundles>
